<compile_context>
chip_gen: v7x
topology: tpu7x:2x2x1
jax: 0.10.2.dev20260603
libtpu: 0.0.44.dev20260713+nightly
codegen_flags: <defaults>
</compile_context>

<pallas_src>
import functools

import jax
import jax.numpy as jnp
from jax.experimental import pallas as pl
from jax.experimental.pallas import tpu as pltpu
from jax.experimental.pallas import tpu_sc as plsc

_NUM_SEQS = 16
_HIDDEN = 1024


def _pooler(lens_hbm, hs_hbm, out_hbm, lens_s, lens_sem, row_sem):
    lens_copy = pltpu.make_async_copy(lens_hbm, lens_s, lens_sem)
    lens_copy.start()
    copies = [
        pltpu.make_async_copy(
            hs_hbm.at[pl.ds(jnp.int32(0), 1)], out_hbm.at[pl.ds(0, 1)], row_sem
        )
    ]
    copies[0].start()
    lens_copy.wait()
    offset = lens_s[0]
    for i in range(1, _NUM_SEQS):
        copy = pltpu.make_async_copy(
            hs_hbm.at[pl.ds(offset, 1)], out_hbm.at[pl.ds(i, 1)], row_sem
        )
        copy.start()
        copies.append(copy)
        offset = offset + lens_s[i]
    for copy in copies:
        copy.wait()


def kernel(hidden_states, prompt_lens):
    lens_i32 = prompt_lens.astype(jnp.int32)
    mesh = plsc.ScalarSubcoreMesh(axis_name="c", num_cores=1)
    run = functools.partial(
        pl.kernel,
        mesh=mesh,
        out_type=jax.ShapeDtypeStruct((_NUM_SEQS, _HIDDEN), jnp.float32),
        scratch_types=[
            pltpu.SMEM((_NUM_SEQS,), jnp.int32),
            pltpu.SemaphoreType.DMA,
            pltpu.SemaphoreType.DMA,
        ],
    )(_pooler)
    return run(lens_i32, hidden_states)

# --- scband reference (transcript-rebuilt; emitter-appended) ---
"""Pipeline reference for scband-base-pooler-9758165696811 (READ-ONLY COPY).

The authoritative reference and input builder live on the scoring server;
editing this copy changes nothing except your own understanding.
"""

import jax, jax.numpy as jnp
import numpy as np


def setup_inputs(seed: int = 0) -> dict:
    key = jax.random.key(seed)
    k1, k2 = jax.random.split(key)
    hidden_states = jax.random.normal(k1, (16384, 1024), dtype=jnp.float32)
    # prompt_lens: per-sequence lengths; capped at 1024 so cumsum stays < 16384
    prompt_lens = jax.random.randint(k2, (16,), 0, 1024, dtype=jnp.int64)
    return {"hidden_states": hidden_states, "prompt_lens": prompt_lens}


def reference(hidden_states, prompt_lens):
    # CLSPool.forward_all: take the first token of each packed sequence.
    # first_token_flat_indices = zeros_like(prompt_lens); [1:] += cumsum(prompt_lens)[:-1]
    first_token_flat_indices = jnp.zeros_like(prompt_lens)
    first_token_flat_indices = first_token_flat_indices.at[1:].add(
        jnp.cumsum(prompt_lens, axis=0)[:-1]
    )
    return jnp.take(hidden_states, first_token_flat_indices, axis=0)

if __name__ == "__main__":
    import jax
    _d = setup_inputs()
    print(jax.jit(kernel)(*tuple(_d.values())))

</pallas_src>

<mosaic_0001>
#map = affine_map<(d0) -> (0)>
#map1 = affine_map<(d0) -> (0, 0)>
module attributes {stable_mosaic.version = 14 : i64} {
  func.func @_pooler(%arg0: i32, %arg1: memref<16xi32, #tpu.memory_space<hbm>>, %arg2: memref<16384x1024xf32, #tpu.memory_space<hbm>>, %arg3: memref<16x1024xf32, #tpu.memory_space<hbm>>, %arg4: memref<16xi32, #tpu.memory_space<smem>>, %arg5: memref<!tpu.dma_semaphore, #tpu.memory_space<semaphore_mem>>, %arg6: memref<!tpu.dma_semaphore, #tpu.memory_space<semaphore_mem>>) attributes {dimension_semantics = [#tpu.dimension_semantics<core_parallel>], iteration_bounds = array<i64: 1>, scalar_prefetch = 0 : i64, scratch_operands = 3 : i64, tpu.core_type = #tpu.core_type<sc_scalar_subcore>, window_params = [{transform_indices = #map}, {transform_indices = #map1}, {transform_indices = #map1}]} {
    tpu.enqueue_dma source(%arg1 : memref<16xi32, #tpu.memory_space<hbm>>) target(%arg4 : memref<16xi32, #tpu.memory_space<smem>>) target_semaphore(%arg5 : memref<!tpu.dma_semaphore, #tpu.memory_space<semaphore_mem>>)
    %dma_start3A = arith.constant 0 : i32
    %dma_start3A_0 = arith.constant 0 : i32
    %dma_start3A_1 = arith.constant 0 : i32
    %dma_start3A_2 = tpu.memref_slice %arg3[%dma_start3A_0, %dma_start3A_1] : memref<16x1024xf32, #tpu.memory_space<hbm>> -> memref<1x1024xf32, #tpu.memory_space<hbm>>
    %dma_start3A_3 = arith.constant 0 : i32
    %dma_start3A_4 = tpu.memref_slice %arg2[%dma_start3A, %dma_start3A_3] : memref<16384x1024xf32, #tpu.memory_space<hbm>> -> memref<1x1024xf32, #tpu.memory_space<hbm>>
    tpu.enqueue_dma source(%dma_start3A_4 : memref<1x1024xf32, #tpu.memory_space<hbm>>) target(%dma_start3A_2 : memref<1x1024xf32, #tpu.memory_space<hbm>>) target_semaphore(%arg6 : memref<!tpu.dma_semaphore, #tpu.memory_space<semaphore_mem>>)
    tpu.wait_dma2 semaphore(%arg5 : memref<!tpu.dma_semaphore, #tpu.memory_space<semaphore_mem>>) src(%arg1 : memref<16xi32, #tpu.memory_space<hbm>>) dst(%arg4 : memref<16xi32, #tpu.memory_space<smem>>)
    %get3A = arith.constant 0 : i32
    %get3A_5 = arith.index_cast %get3A : i32 to index
    %get3A_6 = memref.load %arg4[%get3A_5] : memref<16xi32, #tpu.memory_space<smem>>
    %dma_start3A_7 = arith.constant 1 : i32
    %dma_start3A_8 = arith.constant 0 : i32
    %dma_start3A_9 = tpu.memref_slice %arg3[%dma_start3A_7, %dma_start3A_8] : memref<16x1024xf32, #tpu.memory_space<hbm>> -> memref<1x1024xf32, #tpu.memory_space<hbm>>
    %dma_start3A_10 = arith.constant 0 : i32
    %dma_start3A_11 = tpu.memref_slice %arg2[%get3A_6, %dma_start3A_10] : memref<16384x1024xf32, #tpu.memory_space<hbm>> -> memref<1x1024xf32, #tpu.memory_space<hbm>>
    tpu.enqueue_dma source(%dma_start3A_11 : memref<1x1024xf32, #tpu.memory_space<hbm>>) target(%dma_start3A_9 : memref<1x1024xf32, #tpu.memory_space<hbm>>) target_semaphore(%arg6 : memref<!tpu.dma_semaphore, #tpu.memory_space<semaphore_mem>>)
    %get3A_12 = arith.constant 1 : i32
    %get3A_13 = arith.index_cast %get3A_12 : i32 to index
    %get3A_14 = memref.load %arg4[%get3A_13] : memref<16xi32, #tpu.memory_space<smem>>
    %add3A = arith.addi %get3A_6, %get3A_14 : i32
    %dma_start3A_15 = arith.constant 2 : i32
    %dma_start3A_16 = arith.constant 0 : i32
    %dma_start3A_17 = tpu.memref_slice %arg3[%dma_start3A_15, %dma_start3A_16] : memref<16x1024xf32, #tpu.memory_space<hbm>> -> memref<1x1024xf32, #tpu.memory_space<hbm>>
    %dma_start3A_18 = arith.constant 0 : i32
    %dma_start3A_19 = tpu.memref_slice %arg2[%add3A, %dma_start3A_18] : memref<16384x1024xf32, #tpu.memory_space<hbm>> -> memref<1x1024xf32, #tpu.memory_space<hbm>>
    tpu.enqueue_dma source(%dma_start3A_19 : memref<1x1024xf32, #tpu.memory_space<hbm>>) target(%dma_start3A_17 : memref<1x1024xf32, #tpu.memory_space<hbm>>) target_semaphore(%arg6 : memref<!tpu.dma_semaphore, #tpu.memory_space<semaphore_mem>>)
    %get3A_20 = arith.constant 2 : i32
    %get3A_21 = arith.index_cast %get3A_20 : i32 to index
    %get3A_22 = memref.load %arg4[%get3A_21] : memref<16xi32, #tpu.memory_space<smem>>
    %add3A_23 = arith.addi %add3A, %get3A_22 : i32
    %dma_start3A_24 = arith.constant 3 : i32
    %dma_start3A_25 = arith.constant 0 : i32
    %dma_start3A_26 = tpu.memref_slice %arg3[%dma_start3A_24, %dma_start3A_25] : memref<16x1024xf32, #tpu.memory_space<hbm>> -> memref<1x1024xf32, #tpu.memory_space<hbm>>
    %dma_start3A_27 = arith.constant 0 : i32
    %dma_start3A_28 = tpu.memref_slice %arg2[%add3A_23, %dma_start3A_27] : memref<16384x1024xf32, #tpu.memory_space<hbm>> -> memref<1x1024xf32, #tpu.memory_space<hbm>>
    tpu.enqueue_dma source(%dma_start3A_28 : memref<1x1024xf32, #tpu.memory_space<hbm>>) target(%dma_start3A_26 : memref<1x1024xf32, #tpu.memory_space<hbm>>) target_semaphore(%arg6 : memref<!tpu.dma_semaphore, #tpu.memory_space<semaphore_mem>>)
    %get3A_29 = arith.constant 3 : i32
    %get3A_30 = arith.index_cast %get3A_29 : i32 to index
    %get3A_31 = memref.load %arg4[%get3A_30] : memref<16xi32, #tpu.memory_space<smem>>
    %add3A_32 = arith.addi %add3A_23, %get3A_31 : i32
    %dma_start3A_33 = arith.constant 4 : i32
    %dma_start3A_34 = arith.constant 0 : i32
    %dma_start3A_35 = tpu.memref_slice %arg3[%dma_start3A_33, %dma_start3A_34] : memref<16x1024xf32, #tpu.memory_space<hbm>> -> memref<1x1024xf32, #tpu.memory_space<hbm>>
    %dma_start3A_36 = arith.constant 0 : i32
    %dma_start3A_37 = tpu.memref_slice %arg2[%add3A_32, %dma_start3A_36] : memref<16384x1024xf32, #tpu.memory_space<hbm>> -> memref<1x1024xf32, #tpu.memory_space<hbm>>
    tpu.enqueue_dma source(%dma_start3A_37 : memref<1x1024xf32, #tpu.memory_space<hbm>>) target(%dma_start3A_35 : memref<1x1024xf32, #tpu.memory_space<hbm>>) target_semaphore(%arg6 : memref<!tpu.dma_semaphore, #tpu.memory_space<semaphore_mem>>)
    %get3A_38 = arith.constant 4 : i32
    %get3A_39 = arith.index_cast %get3A_38 : i32 to index
    %get3A_40 = memref.load %arg4[%get3A_39] : memref<16xi32, #tpu.memory_space<smem>>
    %add3A_41 = arith.addi %add3A_32, %get3A_40 : i32
    %dma_start3A_42 = arith.constant 5 : i32
    %dma_start3A_43 = arith.constant 0 : i32
    %dma_start3A_44 = tpu.memref_slice %arg3[%dma_start3A_42, %dma_start3A_43] : memref<16x1024xf32, #tpu.memory_space<hbm>> -> memref<1x1024xf32, #tpu.memory_space<hbm>>
    %dma_start3A_45 = arith.constant 0 : i32
    %dma_start3A_46 = tpu.memref_slice %arg2[%add3A_41, %dma_start3A_45] : memref<16384x1024xf32, #tpu.memory_space<hbm>> -> memref<1x1024xf32, #tpu.memory_space<hbm>>
    tpu.enqueue_dma source(%dma_start3A_46 : memref<1x1024xf32, #tpu.memory_space<hbm>>) target(%dma_start3A_44 : memref<1x1024xf32, #tpu.memory_space<hbm>>) target_semaphore(%arg6 : memref<!tpu.dma_semaphore, #tpu.memory_space<semaphore_mem>>)
    %get3A_47 = arith.constant 5 : i32
    %get3A_48 = arith.index_cast %get3A_47 : i32 to index
    %get3A_49 = memref.load %arg4[%get3A_48] : memref<16xi32, #tpu.memory_space<smem>>
    %add3A_50 = arith.addi %add3A_41, %get3A_49 : i32
    %dma_start3A_51 = arith.constant 6 : i32
    %dma_start3A_52 = arith.constant 0 : i32
    %dma_start3A_53 = tpu.memref_slice %arg3[%dma_start3A_51, %dma_start3A_52] : memref<16x1024xf32, #tpu.memory_space<hbm>> -> memref<1x1024xf32, #tpu.memory_space<hbm>>
    %dma_start3A_54 = arith.constant 0 : i32
    %dma_start3A_55 = tpu.memref_slice %arg2[%add3A_50, %dma_start3A_54] : memref<16384x1024xf32, #tpu.memory_space<hbm>> -> memref<1x1024xf32, #tpu.memory_space<hbm>>
    tpu.enqueue_dma source(%dma_start3A_55 : memref<1x1024xf32, #tpu.memory_space<hbm>>) target(%dma_start3A_53 : memref<1x1024xf32, #tpu.memory_space<hbm>>) target_semaphore(%arg6 : memref<!tpu.dma_semaphore, #tpu.memory_space<semaphore_mem>>)
    %get3A_56 = arith.constant 6 : i32
    %get3A_57 = arith.index_cast %get3A_56 : i32 to index
    %get3A_58 = memref.load %arg4[%get3A_57] : memref<16xi32, #tpu.memory_space<smem>>
    %add3A_59 = arith.addi %add3A_50, %get3A_58 : i32
    %dma_start3A_60 = arith.constant 7 : i32
    %dma_start3A_61 = arith.constant 0 : i32
    %dma_start3A_62 = tpu.memref_slice %arg3[%dma_start3A_60, %dma_start3A_61] : memref<16x1024xf32, #tpu.memory_space<hbm>> -> memref<1x1024xf32, #tpu.memory_space<hbm>>
    %dma_start3A_63 = arith.constant 0 : i32
    %dma_start3A_64 = tpu.memref_slice %arg2[%add3A_59, %dma_start3A_63] : memref<16384x1024xf32, #tpu.memory_space<hbm>> -> memref<1x1024xf32, #tpu.memory_space<hbm>>
    tpu.enqueue_dma source(%dma_start3A_64 : memref<1x1024xf32, #tpu.memory_space<hbm>>) target(%dma_start3A_62 : memref<1x1024xf32, #tpu.memory_space<hbm>>) target_semaphore(%arg6 : memref<!tpu.dma_semaphore, #tpu.memory_space<semaphore_mem>>)
    %get3A_65 = arith.constant 7 : i32
    %get3A_66 = arith.index_cast %get3A_65 : i32 to index
    %get3A_67 = memref.load %arg4[%get3A_66] : memref<16xi32, #tpu.memory_space<smem>>
    %add3A_68 = arith.addi %add3A_59, %get3A_67 : i32
    %dma_start3A_69 = arith.constant 8 : i32
    %dma_start3A_70 = arith.constant 0 : i32
    %dma_start3A_71 = tpu.memref_slice %arg3[%dma_start3A_69, %dma_start3A_70] : memref<16x1024xf32, #tpu.memory_space<hbm>> -> memref<1x1024xf32, #tpu.memory_space<hbm>>
    %dma_start3A_72 = arith.constant 0 : i32
    %dma_start3A_73 = tpu.memref_slice %arg2[%add3A_68, %dma_start3A_72] : memref<16384x1024xf32, #tpu.memory_space<hbm>> -> memref<1x1024xf32, #tpu.memory_space<hbm>>
    tpu.enqueue_dma source(%dma_start3A_73 : memref<1x1024xf32, #tpu.memory_space<hbm>>) target(%dma_start3A_71 : memref<1x1024xf32, #tpu.memory_space<hbm>>) target_semaphore(%arg6 : memref<!tpu.dma_semaphore, #tpu.memory_space<semaphore_mem>>)
    %get3A_74 = arith.constant 8 : i32
    %get3A_75 = arith.index_cast %get3A_74 : i32 to index
    %get3A_76 = memref.load %arg4[%get3A_75] : memref<16xi32, #tpu.memory_space<smem>>
    %add3A_77 = arith.addi %add3A_68, %get3A_76 : i32
    %dma_start3A_78 = arith.constant 9 : i32
    %dma_start3A_79 = arith.constant 0 : i32
    %dma_start3A_80 = tpu.memref_slice %arg3[%dma_start3A_78, %dma_start3A_79] : memref<16x1024xf32, #tpu.memory_space<hbm>> -> memref<1x1024xf32, #tpu.memory_space<hbm>>
    %dma_start3A_81 = arith.constant 0 : i32
    %dma_start3A_82 = tpu.memref_slice %arg2[%add3A_77, %dma_start3A_81] : memref<16384x1024xf32, #tpu.memory_space<hbm>> -> memref<1x1024xf32, #tpu.memory_space<hbm>>
    tpu.enqueue_dma source(%dma_start3A_82 : memref<1x1024xf32, #tpu.memory_space<hbm>>) target(%dma_start3A_80 : memref<1x1024xf32, #tpu.memory_space<hbm>>) target_semaphore(%arg6 : memref<!tpu.dma_semaphore, #tpu.memory_space<semaphore_mem>>)
    %get3A_83 = arith.constant 9 : i32
    %get3A_84 = arith.index_cast %get3A_83 : i32 to index
    %get3A_85 = memref.load %arg4[%get3A_84] : memref<16xi32, #tpu.memory_space<smem>>
    %add3A_86 = arith.addi %add3A_77, %get3A_85 : i32
    %dma_start3A_87 = arith.constant 10 : i32
    %dma_start3A_88 = arith.constant 0 : i32
    %dma_start3A_89 = tpu.memref_slice %arg3[%dma_start3A_87, %dma_start3A_88] : memref<16x1024xf32, #tpu.memory_space<hbm>> -> memref<1x1024xf32, #tpu.memory_space<hbm>>
    %dma_start3A_90 = arith.constant 0 : i32
    %dma_start3A_91 = tpu.memref_slice %arg2[%add3A_86, %dma_start3A_90] : memref<16384x1024xf32, #tpu.memory_space<hbm>> -> memref<1x1024xf32, #tpu.memory_space<hbm>>
    tpu.enqueue_dma source(%dma_start3A_91 : memref<1x1024xf32, #tpu.memory_space<hbm>>) target(%dma_start3A_89 : memref<1x1024xf32, #tpu.memory_space<hbm>>) target_semaphore(%arg6 : memref<!tpu.dma_semaphore, #tpu.memory_space<semaphore_mem>>)
    %get3A_92 = arith.constant 10 : i32
    %get3A_93 = arith.index_cast %get3A_92 : i32 to index
    %get3A_94 = memref.load %arg4[%get3A_93] : memref<16xi32, #tpu.memory_space<smem>>
    %add3A_95 = arith.addi %add3A_86, %get3A_94 : i32
    %dma_start3A_96 = arith.constant 11 : i32
    %dma_start3A_97 = arith.constant 0 : i32
    %dma_start3A_98 = tpu.memref_slice %arg3[%dma_start3A_96, %dma_start3A_97] : memref<16x1024xf32, #tpu.memory_space<hbm>> -> memref<1x1024xf32, #tpu.memory_space<hbm>>
    %dma_start3A_99 = arith.constant 0 : i32
    %dma_start3A_100 = tpu.memref_slice %arg2[%add3A_95, %dma_start3A_99] : memref<16384x1024xf32, #tpu.memory_space<hbm>> -> memref<1x1024xf32, #tpu.memory_space<hbm>>
    tpu.enqueue_dma source(%dma_start3A_100 : memref<1x1024xf32, #tpu.memory_space<hbm>>) target(%dma_start3A_98 : memref<1x1024xf32, #tpu.memory_space<hbm>>) target_semaphore(%arg6 : memref<!tpu.dma_semaphore, #tpu.memory_space<semaphore_mem>>)
    %get3A_101 = arith.constant 11 : i32
    %get3A_102 = arith.index_cast %get3A_101 : i32 to index
    %get3A_103 = memref.load %arg4[%get3A_102] : memref<16xi32, #tpu.memory_space<smem>>
    %add3A_104 = arith.addi %add3A_95, %get3A_103 : i32
    %dma_start3A_105 = arith.constant 12 : i32
    %dma_start3A_106 = arith.constant 0 : i32
    %dma_start3A_107 = tpu.memref_slice %arg3[%dma_start3A_105, %dma_start3A_106] : memref<16x1024xf32, #tpu.memory_space<hbm>> -> memref<1x1024xf32, #tpu.memory_space<hbm>>
    %dma_start3A_108 = arith.constant 0 : i32
    %dma_start3A_109 = tpu.memref_slice %arg2[%add3A_104, %dma_start3A_108] : memref<16384x1024xf32, #tpu.memory_space<hbm>> -> memref<1x1024xf32, #tpu.memory_space<hbm>>
    tpu.enqueue_dma source(%dma_start3A_109 : memref<1x1024xf32, #tpu.memory_space<hbm>>) target(%dma_start3A_107 : memref<1x1024xf32, #tpu.memory_space<hbm>>) target_semaphore(%arg6 : memref<!tpu.dma_semaphore, #tpu.memory_space<semaphore_mem>>)
    %get3A_110 = arith.constant 12 : i32
    %get3A_111 = arith.index_cast %get3A_110 : i32 to index
    %get3A_112 = memref.load %arg4[%get3A_111] : memref<16xi32, #tpu.memory_space<smem>>
    %add3A_113 = arith.addi %add3A_104, %get3A_112 : i32
    %dma_start3A_114 = arith.constant 13 : i32
    %dma_start3A_115 = arith.constant 0 : i32
    %dma_start3A_116 = tpu.memref_slice %arg3[%dma_start3A_114, %dma_start3A_115] : memref<16x1024xf32, #tpu.memory_space<hbm>> -> memref<1x1024xf32, #tpu.memory_space<hbm>>
    %dma_start3A_117 = arith.constant 0 : i32
    %dma_start3A_118 = tpu.memref_slice %arg2[%add3A_113, %dma_start3A_117] : memref<16384x1024xf32, #tpu.memory_space<hbm>> -> memref<1x1024xf32, #tpu.memory_space<hbm>>
    tpu.enqueue_dma source(%dma_start3A_118 : memref<1x1024xf32, #tpu.memory_space<hbm>>) target(%dma_start3A_116 : memref<1x1024xf32, #tpu.memory_space<hbm>>) target_semaphore(%arg6 : memref<!tpu.dma_semaphore, #tpu.memory_space<semaphore_mem>>)
    %get3A_119 = arith.constant 13 : i32
    %get3A_120 = arith.index_cast %get3A_119 : i32 to index
    %get3A_121 = memref.load %arg4[%get3A_120] : memref<16xi32, #tpu.memory_space<smem>>
    %add3A_122 = arith.addi %add3A_113, %get3A_121 : i32
    %dma_start3A_123 = arith.constant 14 : i32
    %dma_start3A_124 = arith.constant 0 : i32
    %dma_start3A_125 = tpu.memref_slice %arg3[%dma_start3A_123, %dma_start3A_124] : memref<16x1024xf32, #tpu.memory_space<hbm>> -> memref<1x1024xf32, #tpu.memory_space<hbm>>
    %dma_start3A_126 = arith.constant 0 : i32
    %dma_start3A_127 = tpu.memref_slice %arg2[%add3A_122, %dma_start3A_126] : memref<16384x1024xf32, #tpu.memory_space<hbm>> -> memref<1x1024xf32, #tpu.memory_space<hbm>>
    tpu.enqueue_dma source(%dma_start3A_127 : memref<1x1024xf32, #tpu.memory_space<hbm>>) target(%dma_start3A_125 : memref<1x1024xf32, #tpu.memory_space<hbm>>) target_semaphore(%arg6 : memref<!tpu.dma_semaphore, #tpu.memory_space<semaphore_mem>>)
    %get3A_128 = arith.constant 14 : i32
    %get3A_129 = arith.index_cast %get3A_128 : i32 to index
    %get3A_130 = memref.load %arg4[%get3A_129] : memref<16xi32, #tpu.memory_space<smem>>
    %add3A_131 = arith.addi %add3A_122, %get3A_130 : i32
    %dma_start3A_132 = arith.constant 15 : i32
    %dma_start3A_133 = arith.constant 0 : i32
    %dma_start3A_134 = tpu.memref_slice %arg3[%dma_start3A_132, %dma_start3A_133] : memref<16x1024xf32, #tpu.memory_space<hbm>> -> memref<1x1024xf32, #tpu.memory_space<hbm>>
    %dma_start3A_135 = arith.constant 0 : i32
    %dma_start3A_136 = tpu.memref_slice %arg2[%add3A_131, %dma_start3A_135] : memref<16384x1024xf32, #tpu.memory_space<hbm>> -> memref<1x1024xf32, #tpu.memory_space<hbm>>
    tpu.enqueue_dma source(%dma_start3A_136 : memref<1x1024xf32, #tpu.memory_space<hbm>>) target(%dma_start3A_134 : memref<1x1024xf32, #tpu.memory_space<hbm>>) target_semaphore(%arg6 : memref<!tpu.dma_semaphore, #tpu.memory_space<semaphore_mem>>)
    %get3A_137 = arith.constant 15 : i32
    %get3A_138 = arith.index_cast %get3A_137 : i32 to index
    %get3A_139 = memref.load %arg4[%get3A_138] : memref<16xi32, #tpu.memory_space<smem>>
    %add3A_140 = arith.addi %add3A_131, %get3A_139 : i32
    %dma_wait3A = arith.constant 0 : i32
    %dma_wait3A_141 = arith.constant 0 : i32
    %dma_wait3A_142 = arith.constant 0 : i32
    %dma_wait3A_143 = tpu.memref_slice %arg3[%dma_wait3A_141, %dma_wait3A_142] : memref<16x1024xf32, #tpu.memory_space<hbm>> -> memref<1x1024xf32, #tpu.memory_space<hbm>>
    %dma_wait3A_144 = arith.constant 0 : i32
    %dma_wait3A_145 = tpu.memref_slice %arg2[%dma_wait3A, %dma_wait3A_144] : memref<16384x1024xf32, #tpu.memory_space<hbm>> -> memref<1x1024xf32, #tpu.memory_space<hbm>>
    tpu.wait_dma2 semaphore(%arg6 : memref<!tpu.dma_semaphore, #tpu.memory_space<semaphore_mem>>) src(%dma_wait3A_145 : memref<1x1024xf32, #tpu.memory_space<hbm>>) dst(%dma_wait3A_143 : memref<1x1024xf32, #tpu.memory_space<hbm>>)
    %dma_wait3A_146 = arith.constant 1 : i32
    %dma_wait3A_147 = arith.constant 0 : i32
    %dma_wait3A_148 = tpu.memref_slice %arg3[%dma_wait3A_146, %dma_wait3A_147] : memref<16x1024xf32, #tpu.memory_space<hbm>> -> memref<1x1024xf32, #tpu.memory_space<hbm>>
    %dma_wait3A_149 = arith.constant 0 : i32
    %dma_wait3A_150 = tpu.memref_slice %arg2[%get3A_6, %dma_wait3A_149] : memref<16384x1024xf32, #tpu.memory_space<hbm>> -> memref<1x1024xf32, #tpu.memory_space<hbm>>
    tpu.wait_dma2 semaphore(%arg6 : memref<!tpu.dma_semaphore, #tpu.memory_space<semaphore_mem>>) src(%dma_wait3A_150 : memref<1x1024xf32, #tpu.memory_space<hbm>>) dst(%dma_wait3A_148 : memref<1x1024xf32, #tpu.memory_space<hbm>>)
    %dma_wait3A_151 = arith.constant 2 : i32
    %dma_wait3A_152 = arith.constant 0 : i32
    %dma_wait3A_153 = tpu.memref_slice %arg3[%dma_wait3A_151, %dma_wait3A_152] : memref<16x1024xf32, #tpu.memory_space<hbm>> -> memref<1x1024xf32, #tpu.memory_space<hbm>>
    %dma_wait3A_154 = arith.constant 0 : i32
    %dma_wait3A_155 = tpu.memref_slice %arg2[%add3A, %dma_wait3A_154] : memref<16384x1024xf32, #tpu.memory_space<hbm>> -> memref<1x1024xf32, #tpu.memory_space<hbm>>
    tpu.wait_dma2 semaphore(%arg6 : memref<!tpu.dma_semaphore, #tpu.memory_space<semaphore_mem>>) src(%dma_wait3A_155 : memref<1x1024xf32, #tpu.memory_space<hbm>>) dst(%dma_wait3A_153 : memref<1x1024xf32, #tpu.memory_space<hbm>>)
    %dma_wait3A_156 = arith.constant 3 : i32
    %dma_wait3A_157 = arith.constant 0 : i32
    %dma_wait3A_158 = tpu.memref_slice %arg3[%dma_wait3A_156, %dma_wait3A_157] : memref<16x1024xf32, #tpu.memory_space<hbm>> -> memref<1x1024xf32, #tpu.memory_space<hbm>>
    %dma_wait3A_159 = arith.constant 0 : i32
    %dma_wait3A_160 = tpu.memref_slice %arg2[%add3A_23, %dma_wait3A_159] : memref<16384x1024xf32, #tpu.memory_space<hbm>> -> memref<1x1024xf32, #tpu.memory_space<hbm>>
    tpu.wait_dma2 semaphore(%arg6 : memref<!tpu.dma_semaphore, #tpu.memory_space<semaphore_mem>>) src(%dma_wait3A_160 : memref<1x1024xf32, #tpu.memory_space<hbm>>) dst(%dma_wait3A_158 : memref<1x1024xf32, #tpu.memory_space<hbm>>)
    %dma_wait3A_161 = arith.constant 4 : i32
    %dma_wait3A_162 = arith.constant 0 : i32
    %dma_wait3A_163 = tpu.memref_slice %arg3[%dma_wait3A_161, %dma_wait3A_162] : memref<16x1024xf32, #tpu.memory_space<hbm>> -> memref<1x1024xf32, #tpu.memory_space<hbm>>
    %dma_wait3A_164 = arith.constant 0 : i32
    %dma_wait3A_165 = tpu.memref_slice %arg2[%add3A_32, %dma_wait3A_164] : memref<16384x1024xf32, #tpu.memory_space<hbm>> -> memref<1x1024xf32, #tpu.memory_space<hbm>>
    tpu.wait_dma2 semaphore(%arg6 : memref<!tpu.dma_semaphore, #tpu.memory_space<semaphore_mem>>) src(%dma_wait3A_165 : memref<1x1024xf32, #tpu.memory_space<hbm>>) dst(%dma_wait3A_163 : memref<1x1024xf32, #tpu.memory_space<hbm>>)
    %dma_wait3A_166 = arith.constant 5 : i32
    %dma_wait3A_167 = arith.constant 0 : i32
    %dma_wait3A_168 = tpu.memref_slice %arg3[%dma_wait3A_166, %dma_wait3A_167] : memref<16x1024xf32, #tpu.memory_space<hbm>> -> memref<1x1024xf32, #tpu.memory_space<hbm>>
    %dma_wait3A_169 = arith.constant 0 : i32
    %dma_wait3A_170 = tpu.memref_slice %arg2[%add3A_41, %dma_wait3A_169] : memref<16384x1024xf32, #tpu.memory_space<hbm>> -> memref<1x1024xf32, #tpu.memory_space<hbm>>
    tpu.wait_dma2 semaphore(%arg6 : memref<!tpu.dma_semaphore, #tpu.memory_space<semaphore_mem>>) src(%dma_wait3A_170 : memref<1x1024xf32, #tpu.memory_space<hbm>>) dst(%dma_wait3A_168 : memref<1x1024xf32, #tpu.memory_space<hbm>>)
    %dma_wait3A_171 = arith.constant 6 : i32
    %dma_wait3A_172 = arith.constant 0 : i32
    %dma_wait3A_173 = tpu.memref_slice %arg3[%dma_wait3A_171, %dma_wait3A_172] : memref<16x1024xf32, #tpu.memory_space<hbm>> -> memref<1x1024xf32, #tpu.memory_space<hbm>>
    %dma_wait3A_174 = arith.constant 0 : i32
    %dma_wait3A_175 = tpu.memref_slice %arg2[%add3A_50, %dma_wait3A_174] : memref<16384x1024xf32, #tpu.memory_space<hbm>> -> memref<1x1024xf32, #tpu.memory_space<hbm>>
    tpu.wait_dma2 semaphore(%arg6 : memref<!tpu.dma_semaphore, #tpu.memory_space<semaphore_mem>>) src(%dma_wait3A_175 : memref<1x1024xf32, #tpu.memory_space<hbm>>) dst(%dma_wait3A_173 : memref<1x1024xf32, #tpu.memory_space<hbm>>)
    %dma_wait3A_176 = arith.constant 7 : i32
    %dma_wait3A_177 = arith.constant 0 : i32
    %dma_wait3A_178 = tpu.memref_slice %arg3[%dma_wait3A_176, %dma_wait3A_177] : memref<16x1024xf32, #tpu.memory_space<hbm>> -> memref<1x1024xf32, #tpu.memory_space<hbm>>
    %dma_wait3A_179 = arith.constant 0 : i32
    %dma_wait3A_180 = tpu.memref_slice %arg2[%add3A_59, %dma_wait3A_179] : memref<16384x1024xf32, #tpu.memory_space<hbm>> -> memref<1x1024xf32, #tpu.memory_space<hbm>>
    tpu.wait_dma2 semaphore(%arg6 : memref<!tpu.dma_semaphore, #tpu.memory_space<semaphore_mem>>) src(%dma_wait3A_180 : memref<1x1024xf32, #tpu.memory_space<hbm>>) dst(%dma_wait3A_178 : memref<1x1024xf32, #tpu.memory_space<hbm>>)
    %dma_wait3A_181 = arith.constant 8 : i32
    %dma_wait3A_182 = arith.constant 0 : i32
    %dma_wait3A_183 = tpu.memref_slice %arg3[%dma_wait3A_181, %dma_wait3A_182] : memref<16x1024xf32, #tpu.memory_space<hbm>> -> memref<1x1024xf32, #tpu.memory_space<hbm>>
    %dma_wait3A_184 = arith.constant 0 : i32
    %dma_wait3A_185 = tpu.memref_slice %arg2[%add3A_68, %dma_wait3A_184] : memref<16384x1024xf32, #tpu.memory_space<hbm>> -> memref<1x1024xf32, #tpu.memory_space<hbm>>
    tpu.wait_dma2 semaphore(%arg6 : memref<!tpu.dma_semaphore, #tpu.memory_space<semaphore_mem>>) src(%dma_wait3A_185 : memref<1x1024xf32, #tpu.memory_space<hbm>>) dst(%dma_wait3A_183 : memref<1x1024xf32, #tpu.memory_space<hbm>>)
    %dma_wait3A_186 = arith.constant 9 : i32
    %dma_wait3A_187 = arith.constant 0 : i32
    %dma_wait3A_188 = tpu.memref_slice %arg3[%dma_wait3A_186, %dma_wait3A_187] : memref<16x1024xf32, #tpu.memory_space<hbm>> -> memref<1x1024xf32, #tpu.memory_space<hbm>>
    %dma_wait3A_189 = arith.constant 0 : i32
    %dma_wait3A_190 = tpu.memref_slice %arg2[%add3A_77, %dma_wait3A_189] : memref<16384x1024xf32, #tpu.memory_space<hbm>> -> memref<1x1024xf32, #tpu.memory_space<hbm>>
    tpu.wait_dma2 semaphore(%arg6 : memref<!tpu.dma_semaphore, #tpu.memory_space<semaphore_mem>>) src(%dma_wait3A_190 : memref<1x1024xf32, #tpu.memory_space<hbm>>) dst(%dma_wait3A_188 : memref<1x1024xf32, #tpu.memory_space<hbm>>)
    %dma_wait3A_191 = arith.constant 10 : i32
    %dma_wait3A_192 = arith.constant 0 : i32
    %dma_wait3A_193 = tpu.memref_slice %arg3[%dma_wait3A_191, %dma_wait3A_192] : memref<16x1024xf32, #tpu.memory_space<hbm>> -> memref<1x1024xf32, #tpu.memory_space<hbm>>
    %dma_wait3A_194 = arith.constant 0 : i32
    %dma_wait3A_195 = tpu.memref_slice %arg2[%add3A_86, %dma_wait3A_194] : memref<16384x1024xf32, #tpu.memory_space<hbm>> -> memref<1x1024xf32, #tpu.memory_space<hbm>>
    tpu.wait_dma2 semaphore(%arg6 : memref<!tpu.dma_semaphore, #tpu.memory_space<semaphore_mem>>) src(%dma_wait3A_195 : memref<1x1024xf32, #tpu.memory_space<hbm>>) dst(%dma_wait3A_193 : memref<1x1024xf32, #tpu.memory_space<hbm>>)
    %dma_wait3A_196 = arith.constant 11 : i32
    %dma_wait3A_197 = arith.constant 0 : i32
    %dma_wait3A_198 = tpu.memref_slice %arg3[%dma_wait3A_196, %dma_wait3A_197] : memref<16x1024xf32, #tpu.memory_space<hbm>> -> memref<1x1024xf32, #tpu.memory_space<hbm>>
    %dma_wait3A_199 = arith.constant 0 : i32
    %dma_wait3A_200 = tpu.memref_slice %arg2[%add3A_95, %dma_wait3A_199] : memref<16384x1024xf32, #tpu.memory_space<hbm>> -> memref<1x1024xf32, #tpu.memory_space<hbm>>
    tpu.wait_dma2 semaphore(%arg6 : memref<!tpu.dma_semaphore, #tpu.memory_space<semaphore_mem>>) src(%dma_wait3A_200 : memref<1x1024xf32, #tpu.memory_space<hbm>>) dst(%dma_wait3A_198 : memref<1x1024xf32, #tpu.memory_space<hbm>>)
    %dma_wait3A_201 = arith.constant 12 : i32
    %dma_wait3A_202 = arith.constant 0 : i32
    %dma_wait3A_203 = tpu.memref_slice %arg3[%dma_wait3A_201, %dma_wait3A_202] : memref<16x1024xf32, #tpu.memory_space<hbm>> -> memref<1x1024xf32, #tpu.memory_space<hbm>>
    %dma_wait3A_204 = arith.constant 0 : i32
    %dma_wait3A_205 = tpu.memref_slice %arg2[%add3A_104, %dma_wait3A_204] : memref<16384x1024xf32, #tpu.memory_space<hbm>> -> memref<1x1024xf32, #tpu.memory_space<hbm>>
    tpu.wait_dma2 semaphore(%arg6 : memref<!tpu.dma_semaphore, #tpu.memory_space<semaphore_mem>>) src(%dma_wait3A_205 : memref<1x1024xf32, #tpu.memory_space<hbm>>) dst(%dma_wait3A_203 : memref<1x1024xf32, #tpu.memory_space<hbm>>)
    %dma_wait3A_206 = arith.constant 13 : i32
    %dma_wait3A_207 = arith.constant 0 : i32
    %dma_wait3A_208 = tpu.memref_slice %arg3[%dma_wait3A_206, %dma_wait3A_207] : memref<16x1024xf32, #tpu.memory_space<hbm>> -> memref<1x1024xf32, #tpu.memory_space<hbm>>
    %dma_wait3A_209 = arith.constant 0 : i32
    %dma_wait3A_210 = tpu.memref_slice %arg2[%add3A_113, %dma_wait3A_209] : memref<16384x1024xf32, #tpu.memory_space<hbm>> -> memref<1x1024xf32, #tpu.memory_space<hbm>>
    tpu.wait_dma2 semaphore(%arg6 : memref<!tpu.dma_semaphore, #tpu.memory_space<semaphore_mem>>) src(%dma_wait3A_210 : memref<1x1024xf32, #tpu.memory_space<hbm>>) dst(%dma_wait3A_208 : memref<1x1024xf32, #tpu.memory_space<hbm>>)
    %dma_wait3A_211 = arith.constant 14 : i32
    %dma_wait3A_212 = arith.constant 0 : i32
    %dma_wait3A_213 = tpu.memref_slice %arg3[%dma_wait3A_211, %dma_wait3A_212] : memref<16x1024xf32, #tpu.memory_space<hbm>> -> memref<1x1024xf32, #tpu.memory_space<hbm>>
    %dma_wait3A_214 = arith.constant 0 : i32
    %dma_wait3A_215 = tpu.memref_slice %arg2[%add3A_122, %dma_wait3A_214] : memref<16384x1024xf32, #tpu.memory_space<hbm>> -> memref<1x1024xf32, #tpu.memory_space<hbm>>
    tpu.wait_dma2 semaphore(%arg6 : memref<!tpu.dma_semaphore, #tpu.memory_space<semaphore_mem>>) src(%dma_wait3A_215 : memref<1x1024xf32, #tpu.memory_space<hbm>>) dst(%dma_wait3A_213 : memref<1x1024xf32, #tpu.memory_space<hbm>>)
    %dma_wait3A_216 = arith.constant 15 : i32
    %dma_wait3A_217 = arith.constant 0 : i32
    %dma_wait3A_218 = tpu.memref_slice %arg3[%dma_wait3A_216, %dma_wait3A_217] : memref<16x1024xf32, #tpu.memory_space<hbm>> -> memref<1x1024xf32, #tpu.memory_space<hbm>>
    %dma_wait3A_219 = arith.constant 0 : i32
    %dma_wait3A_220 = tpu.memref_slice %arg2[%add3A_131, %dma_wait3A_219] : memref<16384x1024xf32, #tpu.memory_space<hbm>> -> memref<1x1024xf32, #tpu.memory_space<hbm>>
    tpu.wait_dma2 semaphore(%arg6 : memref<!tpu.dma_semaphore, #tpu.memory_space<semaphore_mem>>) src(%dma_wait3A_220 : memref<1x1024xf32, #tpu.memory_space<hbm>>) dst(%dma_wait3A_218 : memref<1x1024xf32, #tpu.memory_space<hbm>>)
    return
  }
}

</mosaic_0001>

<sc_bundles>
// kernel: kernel.3.cloned.1.call-start
scs
__scs_entry_jumppad:
0x0: {  	(pc) =	sbr.rel $0x88, $3  }
0x1: {  	(tag) =	ssettag $0x0;
	lr =	simm.s32 $0x1  }
0x2: {  	[smem:$0x3F9F] =	sst lr;
	_ =	strace $0xD0000000  }
0x3: {  	_ = 	snop  }
0x4: {  	_ = 	snop  }
0x5: {  	_ = 	snop  }
0x6: {  	_ = 	snop  }
0x7: {  	_ = 	snop  }
__scs_overlays_trampoline_lowered:
0x8: {  	[smem:$0x3FAE] =	sst s0  }
0x9: {  	[smem:$0x3FAF] =	sst s1  }
0xa: {  	[smem:$0x3FB0] =	sst s2  }
0xb: {  	[smem:$0x3FB1] =	sst s3  }
0xc: {  	[smem:$0x3FB2] =	sst s4  }
0xd: {  	[smem:$0x3FB3] =	sst s5  }
0xe: {  	[smem:$0x3FB4] =	sst s6  }
0xf: {  	[smem:$0x3FB5] =	sst s7  }
0x10: {  	[smem:$0x3FB6] =	sst s8  }
0x11: {  	[smem:$0x3FB7] =	sst s9;
	s0 =	simm.s32 @!p0 $0x0  }
0x12: {  	s1 =	sld [smem:$0x3F9D];
	s0 =	simm.s32 @p0 $0x1  }
0x13: {  	[smem:$0x3FB8] =	sst s0;
	s0 =	simm.s32 @!p1 $0x0  }
0x14: {  	s2 =	sld [smem:$0x3F9C];
	s0 =	simm.s32 @p1 $0x1  }
0x15: {  	[smem:$0x3FB9] =	sst s0;
	s0 =	simm.s32 @!p2 $0x0  }
0x16: {  	s3 =	sld [smem:$0x3FDB];
	s0 =	simm.s32 @p2 $0x1  }
0x17: {  	s4 =	simm.s32 $0x1BF5;
	[smem:$0x3FBB] =	sst s0  }
0x18: {  	s0 =	sld [smem:$0x3F9E];
	_ =	swait.ge [sflag:s4], $0x0  }
0x19: {  	s7 =	sld [smem:$0x3F9F]  }
0x1a: {  	s8 =	sadd.s32 $0xFFFFE003, lr  }
0x1b: {  	s9 =	sadd.s32 $0xFFFFFEF7, lr;
	s5 =	simm.s32 $0xFFFFFFFF;
	p2 =	slt.u32 s8, $0xFFFFF086  }
0x1c: {  	p1 =	slt.u32 s9, $0xF7A;
	s5 =	simm.s32 @!p2 $0x0  }
0x1d: {  	s5 =	simm.s32 @p1 $0x1;
	p0 =	seq.s32 s7, s2  }
0x1e: {  	s7 =	smul.u32 @!p0 $0xF7A, s2;
	p2 =	seq.s32 @!p0 s5, $0x0  }
0x1f: {  	s9 =	smul.u32 $0xF7A, s1;
	s8 =	simm.s32 @!p0 $0x1BF5;
	p2 =	por !p2, p0  }
0x20: {  	[sflag:s8] =	ssyncset.s32 @!p0 $0xFFFFF086;
	s6 =	sadd.s32 @!p0 s3, s7;
	s7 =	simm.s32 @!p0 $0x108  }
0x21: {  	s3 =	sadd.s32 s3, s9;
	s6 =	sadd.s32 @!p0 $0x88, s6;
	s7 =	simm.s32 @p2 $0x1082  }
0x22: {  	[simem:s7], [sflag:s8] =	dma.local @!p0 [hbm:s6], $0xF7A  }
0x23: {  	s9 =	sor.u32 $0xD0000000, s2;
	s6 =	simm.s32 $0x108;
	_ =	swait.ge @!p0 [sflag:s8], $0x0  }
0x24: {  	s3 =	sadd.s32 $0x88, s3;
	s6 =	simm.s32 @!p1 $0x1082;
	[sflag:s4] =	ssyncset.s32 $0xFFFFF086  }
0x25: {  	[simem:s6], [sflag:s4] =	dma.local [hbm:s3], $0xF7A  }
0x26: {  	[smem:$0x3F9F] =	sst s1;
	(tag) =	ssettag s2;
	_ =	strace s9  }
0x27: {  	s1 =	sld [smem:$0x3FAF]  }
0x28: {  	s2 =	sld [smem:$0x3FB0]  }
0x29: {  	s4 =	sld [smem:$0x3FB2]  }
0x2a: {  	p0 =	seq.s32 s5, $0x0;
	s5 =	sld [smem:$0x3FB3]  }
0x2b: {  	s6 =	sld [smem:$0x3FB4]  }
0x2c: {  	s7 =	sld [smem:$0x3FB5]  }
0x2d: {  	s3 =	simm.s32 $0x108;
	s8 =	sld [smem:$0x3FB6]  }
0x2e: {  	s3 =	simm.s32 @!p0 $0x1082;
	s9 =	sld [smem:$0x3FB7]  }
0x2f: {  	lr =	sadd.s32 s0, s3;
	s0 =	sld [smem:$0x3FAE]  }
0x30: {  	s3 =	sld [smem:$0x3FB1]  }
0x31: {  	[smem:$0x3FBA] =	sst s10  }
0x32: {  	s10 =	sld [smem:$0x3FB8];
	_ =	sdelay $0x3  }
0x33: {  	p0 =	seq.s32 s10, $0x1;
	s10 =	sld [smem:$0x3FBA];
	_ =	sdelay $0x3  }
0x34: {  	[smem:$0x3FBA] =	sst s10  }
0x35: {  	s10 =	sld [smem:$0x3FB9];
	_ =	sdelay $0x3  }
0x36: {  	p1 =	seq.s32 s10, $0x1;
	s10 =	sld [smem:$0x3FBA];
	_ =	sdelay $0x3  }
0x37: {  	[smem:$0x3FBA] =	sst s10  }
0x38: {  	s10 =	sld [smem:$0x3FBB]  }
0x39: {  	_ = 	snop;
	(pc) =	sbr.ind lr, $3  }
0x3a: {  	_ = 	snop  }
0x3b: {  	_ = 	snop  }
0x3c: {  	p2 =	seq.s32 s10, $0x1;
	s10 =	sld [smem:$0x3FBA]  }
0x3d: {  	_ =	shalt  }
0x3e: {  	_ =	shalt  }
0x3f: {  	_ =	shalt  }
0x40: {  	_ =	shalt  }
0x41: {  	_ =	shalt  }
0x42: {  	_ =	shalt  }
0x43: {  	_ =	shalt  }
0x44: {  	_ =	shalt  }
0x45: {  	_ =	shalt  }
0x46: {  	_ =	shalt  }
0x47: {  	_ =	shalt  }
0x48: {  	_ =	shalt  }
0x49: {  	_ =	shalt  }
0x4a: {  	_ =	shalt  }
0x4b: {  	_ =	shalt  }
0x4c: {  	_ =	shalt  }
0x4d: {  	_ =	shalt  }
0x4e: {  	_ =	shalt  }
0x4f: {  	_ =	shalt  }
0x50: {  	_ =	shalt  }
0x51: {  	_ =	shalt  }
0x52: {  	_ =	shalt  }
0x53: {  	_ =	shalt  }
0x54: {  	_ =	shalt  }
0x55: {  	_ =	shalt  }
0x56: {  	_ =	shalt  }
0x57: {  	_ =	shalt  }
0x58: {  	_ =	shalt  }
0x59: {  	_ =	shalt  }
0x5a: {  	_ =	shalt  }
0x5b: {  	_ =	shalt  }
0x5c: {  	_ =	shalt  }
0x5d: {  	_ =	shalt  }
0x5e: {  	_ =	shalt  }
0x5f: {  	_ =	shalt  }
0x60: {  	_ =	shalt  }
0x61: {  	_ =	shalt  }
0x62: {  	_ =	shalt  }
0x63: {  	_ =	shalt  }
0x64: {  	_ =	shalt  }
0x65: {  	_ =	shalt  }
0x66: {  	_ =	shalt  }
0x67: {  	_ =	shalt  }
0x68: {  	_ =	shalt  }
0x69: {  	_ =	shalt  }
0x6a: {  	_ =	shalt  }
0x6b: {  	_ =	shalt  }
0x6c: {  	_ =	shalt  }
0x6d: {  	_ =	shalt  }
0x6e: {  	_ =	shalt  }
0x6f: {  	_ =	shalt  }
0x70: {  	_ =	shalt  }
0x71: {  	_ =	shalt  }
0x72: {  	_ =	shalt  }
0x73: {  	_ =	shalt  }
0x74: {  	_ =	shalt  }
0x75: {  	_ =	shalt  }
0x76: {  	_ =	shalt  }
0x77: {  	_ =	shalt  }
0x78: {  	_ =	shalt  }
0x79: {  	_ =	shalt  }
0x7a: {  	_ =	shalt  }
0x7b: {  	_ =	shalt  }
0x7c: {  	_ =	shalt  }
0x7d: {  	_ =	shalt  }
0x7e: {  	_ =	shalt  }
0x7f: {  	_ =	shalt  }
0x80: {  	_ =	shalt  }
0x81: {  	_ =	shalt  }
0x82: {  	_ =	shalt  }
0x83: {  	_ =	shalt  }
0x84: {  	_ =	shalt  }
0x85: {  	_ =	shalt  }
0x86: {  	_ =	shalt  }
0x87: {  	_ =	shalt  }
.Lfunc_end0:
.L_simem_size_0:
called_computation_lowered:
.L_overlay_start_0:
0x88: {  	s0 =	sld [smem:$0x3FD9]  }
0x89: {  	s1 =	sld [smem:$0x3FFE];
	_ =	sdelay $0x3  }
0x8a: {  	s0 =	sadd.s32 s1, s0  }
0x8b: {  	s3 =	simm.s32 $0x0;
	[smem:$0x3FC6] =	sst s0  }
0x8c: {  	[smem:$0xF] =	sst s3  }
0x8d: {  	s1 =	sld [smem:$0x3FC9]  }
0x8e: {  	s0 =	sld [smem:$0x3FC8]  }
0x8f: {  	s2 =	sld [smem:$0x3FD0];
	(tm) =	ssettm $0x1  }
0x90: {  	s19 =	sld [smem:$0x3FFB];
	_ =	sdelay $0x3  }
0x91: {  	_ =	strace s19  }
0x92: {  	s3 =	sld [smem:$0x3FFC];
	_ =	sdelay $0x3  }
0x93: {  	_ =	strace s3  }
0x94: {  	s3 =	sld [smem:$0x3FFD];
	_ =	sdelay $0x3  }
0x95: {  	_ =	strace s3  }
0x96: {  	s20 =	simm.s32 $0x1B8B;
	_ =	strace $0x8FFFFFFF  }
0x97: {  	_ =	swait.ge [sflag:s20], $0x1  }
0x98: {  	[sflag:s20] =	ssyncset.done $0x0  }
0x99: {  	s21 =	simm.s32 $0x1B8E;
	[sflag:s20] =	ssyncadd.s32 $0xFFFFFFFF  }
0x9a: {  	[smem:$0x3FD2] =	sst s21  }
0x9b: {  	s5 =	simm.s32 $0x9;
	s22 =	simm.s32 $0x10;
	_ =	strace $0x80000046  }
0x9c: {  	[smem:s22], [sflag:s5] =	dma.local [hbm:s0], $0x10  }
0x9d: {  	s4 =	simm.s32 $0x80;
	s3 =	simm.s32 $0x1;
	s0 =	simm.s32 $0xA  }
0x9e: {  	[hbm:s2@s4], [sflag:s0] =	dma.strided [hbm:s1@s4], $0x80, s3, $0x10   }
0x9f: {  	_ =	swait.ge [sflag:s5], $0x10  }
0xa0: {  	[sflag:s5] =	ssyncset.done $0x0  }
0xa1: {  	[sflag:s5] =	ssyncadd.s32 $0xFFFFFFF0  }
0xa2: {  	s5 =	sld [smem:$0x10];
	_ =	sdelay $0x3  }
0xa3: {  	s6 =	sshll.u32 s5, $0xA;
	s7 =	sshll.u32 s5, $0x7  }
0xa4: {  	s6 =	sand.u32 $0xFFFFE000, s6;
	s7 =	sand.u32 $0x380, s7  }
0xa5: {  	s6 =	sor.u32 s7, s6  }
0xa6: {  	s6 =	sshrl.u32 s6, $0x3  }
0xa7: {  	s23 =	sadd.s32 $0x10, s2;
	s6 =	sadd.s32 s1, s6  }
0xa8: {  	[hbm:s23@s4], [sflag:s0] =	dma.strided [hbm:s6@s4], $0x80, s3, $0x10   }
0xa9: {  	s6 =	sld [smem:$0x11];
	_ =	sdelay $0x3  }
0xaa: {  	s5 =	sadd.s32 s5, s6  }
0xab: {  	s6 =	sshll.u32 s5, $0xA;
	s24 =	sshll.u32 s5, $0x7  }
0xac: {  	s6 =	sand.u32 $0xFFFFE000, s6;
	s7 =	sand.u32 $0x380, s24  }
0xad: {  	s6 =	sor.u32 s7, s6  }
0xae: {  	s6 =	sshrl.u32 s6, $0x3  }
0xaf: {  	s25 =	sadd.s32 $0x20, s2;
	s6 =	sadd.s32 s1, s6  }
0xb0: {  	[hbm:s25@s4], [sflag:s0] =	dma.strided [hbm:s6@s4], $0x80, s3, $0x10   }
0xb1: {  	s6 =	sld [smem:$0x12];
	_ =	sdelay $0x3  }
0xb2: {  	s5 =	sadd.s32 s5, s6  }
0xb3: {  	s6 =	sshll.u32 s5, $0xA;
	s26 =	sshll.u32 s5, $0x7  }
0xb4: {  	s6 =	sand.u32 $0xFFFFE000, s6;
	s7 =	sand.u32 $0x380, s26  }
0xb5: {  	s6 =	sor.u32 s7, s6  }
0xb6: {  	s6 =	sshrl.u32 s6, $0x3  }
0xb7: {  	s28 =	sadd.s32 $0x30, s2;
	s6 =	sadd.s32 s1, s6  }
0xb8: {  	[hbm:s28@s4], [sflag:s0] =	dma.strided [hbm:s6@s4], $0x80, s3, $0x10   }
0xb9: {  	s6 =	sld [smem:$0x13];
	_ =	sdelay $0x3  }
0xba: {  	s5 =	sadd.s32 s5, s6  }
0xbb: {  	s6 =	sshll.u32 s5, $0xA;
	s29 =	sshll.u32 s5, $0x7  }
0xbc: {  	s6 =	sand.u32 $0xFFFFE000, s6;
	s7 =	sand.u32 $0x380, s29  }
0xbd: {  	s6 =	sor.u32 s7, s6  }
0xbe: {  	s6 =	sshrl.u32 s6, $0x3  }
0xbf: {  	s30 =	sadd.s32 $0x40, s2;
	s6 =	sadd.s32 s1, s6  }
0xc0: {  	[hbm:s30@s4], [sflag:s0] =	dma.strided [hbm:s6@s4], $0x80, s3, $0x10   }
0xc1: {  	s6 =	sld [smem:$0x14];
	_ =	sdelay $0x3  }
0xc2: {  	s5 =	sadd.s32 s5, s6  }
0xc3: {  	s6 =	sshll.u32 s5, $0xA;
	s31 =	sshll.u32 s5, $0x7  }
0xc4: {  	s6 =	sand.u32 $0xFFFFE000, s6;
	s7 =	sand.u32 $0x380, s31  }
0xc5: {  	s6 =	sor.u32 s7, s6  }
0xc6: {  	s6 =	sshrl.u32 s6, $0x3  }
0xc7: {  	s8 =	sadd.s32 $0x50, s2;
	s6 =	sadd.s32 s1, s6  }
0xc8: {  	[hbm:s8@s4], [sflag:s0] =	dma.strided [hbm:s6@s4], $0x80, s3, $0x10   }
0xc9: {  	s6 =	sld [smem:$0x15];
	_ =	sdelay $0x3  }
0xca: {  	s5 =	sadd.s32 s5, s6  }
0xcb: {  	s6 =	sshll.u32 s5, $0xA;
	s9 =	sshll.u32 s5, $0x7  }
0xcc: {  	s6 =	sand.u32 $0xFFFFE000, s6;
	s7 =	sand.u32 $0x380, s9  }
0xcd: {  	s6 =	sor.u32 s7, s6  }
0xce: {  	s6 =	sshrl.u32 s6, $0x3  }
0xcf: {  	s10 =	sadd.s32 $0x60, s2;
	s6 =	sadd.s32 s1, s6  }
0xd0: {  	[hbm:s10@s4], [sflag:s0] =	dma.strided [hbm:s6@s4], $0x80, s3, $0x10   }
0xd1: {  	s6 =	sld [smem:$0x16];
	_ =	sdelay $0x3  }
0xd2: {  	s5 =	sadd.s32 s5, s6  }
0xd3: {  	s6 =	sshll.u32 s5, $0xA;
	s11 =	sshll.u32 s5, $0x7  }
0xd4: {  	s6 =	sand.u32 $0xFFFFE000, s6;
	s7 =	sand.u32 $0x380, s11  }
0xd5: {  	s6 =	sor.u32 s7, s6  }
0xd6: {  	s6 =	sshrl.u32 s6, $0x3  }
0xd7: {  	s12 =	sadd.s32 $0x70, s2;
	s6 =	sadd.s32 s1, s6  }
0xd8: {  	[hbm:s12@s4], [sflag:s0] =	dma.strided [hbm:s6@s4], $0x80, s3, $0x10   }
0xd9: {  	s6 =	sld [smem:$0x17];
	_ =	sdelay $0x3  }
0xda: {  	s5 =	sadd.s32 s5, s6  }
0xdb: {  	s6 =	sshll.u32 s5, $0xA;
	s13 =	sshll.u32 s5, $0x7  }
0xdc: {  	s6 =	sand.u32 $0xFFFFE000, s6;
	s7 =	sand.u32 $0x380, s13  }
0xdd: {  	s6 =	sor.u32 s7, s6  }
0xde: {  	s6 =	sshrl.u32 s6, $0x3  }
0xdf: {  	s14 =	sadd.s32 $0x400, s2;
	s6 =	sadd.s32 s1, s6  }
0xe0: {  	[hbm:s14@s4], [sflag:s0] =	dma.strided [hbm:s6@s4], $0x80, s3, $0x10   }
0xe1: {  	s6 =	sld [smem:$0x18];
	_ =	sdelay $0x3  }
0xe2: {  	s5 =	sadd.s32 s5, s6  }
0xe3: {  	s6 =	sshll.u32 s5, $0xA;
	s15 =	sshll.u32 s5, $0x7  }
0xe4: {  	s6 =	sand.u32 $0xFFFFE000, s6;
	s7 =	sand.u32 $0x380, s15  }
0xe5: {  	s6 =	sor.u32 s7, s6  }
0xe6: {  	s6 =	sshrl.u32 s6, $0x3  }
0xe7: {  	s16 =	sadd.s32 $0x410, s2;
	s6 =	sadd.s32 s1, s6  }
0xe8: {  	[hbm:s16@s4], [sflag:s0] =	dma.strided [hbm:s6@s4], $0x80, s3, $0x10   }
0xe9: {  	s6 =	sld [smem:$0x19];
	_ =	sdelay $0x3  }
0xea: {  	s5 =	sadd.s32 s5, s6  }
0xeb: {  	s6 =	sshll.u32 s5, $0xA;
	s17 =	sshll.u32 s5, $0x7  }
0xec: {  	s6 =	sand.u32 $0xFFFFE000, s6;
	s7 =	sand.u32 $0x380, s17  }
0xed: {  	s6 =	sor.u32 s7, s6  }
0xee: {  	s6 =	sshrl.u32 s6, $0x3  }
0xef: {  	s18 =	sadd.s32 $0x420, s2;
	s6 =	sadd.s32 s1, s6  }
0xf0: {  	[hbm:s18@s4], [sflag:s0] =	dma.strided [hbm:s6@s4], $0x80, s3, $0x10   }
0xf1: {  	s6 =	sld [smem:$0x1A];
	_ =	sdelay $0x3  }
0xf2: {  	s5 =	sadd.s32 s5, s6  }
0xf3: {  	s6 =	sshll.u32 s5, $0xA;
	s19 =	sshll.u32 s5, $0x7  }
0xf4: {  	s6 =	sand.u32 $0xFFFFE000, s6;
	s7 =	sand.u32 $0x380, s19  }
0xf5: {  	s6 =	sor.u32 s7, s6  }
0xf6: {  	s6 =	sshrl.u32 s6, $0x3  }
0xf7: {  	s20 =	sadd.s32 $0x430, s2;
	s6 =	sadd.s32 s1, s6  }
0xf8: {  	[hbm:s20@s4], [sflag:s0] =	dma.strided [hbm:s6@s4], $0x80, s3, $0x10   }
0xf9: {  	s6 =	sld [smem:$0x1B];
	_ =	sdelay $0x3  }
0xfa: {  	s5 =	sadd.s32 s5, s6  }
0xfb: {  	s6 =	sshll.u32 s5, $0xA;
	s21 =	sshll.u32 s5, $0x7  }
0xfc: {  	s6 =	sand.u32 $0xFFFFE000, s6;
	s7 =	sand.u32 $0x380, s21  }
0xfd: {  	s6 =	sor.u32 s7, s6  }
0xfe: {  	s6 =	sshrl.u32 s6, $0x3  }
0xff: {  	s22 =	sadd.s32 $0x440, s2;
	s6 =	sadd.s32 s1, s6  }
0x100: {  	[hbm:s22@s4], [sflag:s0] =	dma.strided [hbm:s6@s4], $0x80, s3, $0x10   }
0x101: {  	s6 =	sld [smem:$0x1C];
	_ =	sdelay $0x3  }
0x102: {  	s5 =	sadd.s32 s5, s6  }
0x103: {  	s6 =	sshll.u32 s5, $0xA;
	s23 =	sshll.u32 s5, $0x7  }
0x104: {  	s6 =	sand.u32 $0xFFFFE000, s6;
	s7 =	sand.u32 $0x380, s23  }
0x105: {  	s6 =	sor.u32 s7, s6  }
0x106: {  	s6 =	sshrl.u32 s6, $0x3  }
0x107: {  	s24 =	sadd.s32 $0x450, s2;
	s6 =	sadd.s32 s1, s6  }
0x108: {  	[hbm:s24@s4], [sflag:s0] =	dma.strided [hbm:s6@s4], $0x80, s3, $0x10   }
0x109: {  	s6 =	sld [smem:$0x1D];
	_ =	sdelay $0x3  }
0x10a: {  	s5 =	sadd.s32 s5, s6  }
0x10b: {  	s6 =	sshll.u32 s5, $0xA;
	s25 =	sshll.u32 s5, $0x7  }
0x10c: {  	s6 =	sand.u32 $0xFFFFE000, s6;
	s7 =	sand.u32 $0x380, s25  }
0x10d: {  	s6 =	sor.u32 s7, s6  }
0x10e: {  	s6 =	sshrl.u32 s6, $0x3  }
0x10f: {  	s26 =	sadd.s32 $0x460, s2;
	s6 =	sadd.s32 s1, s6  }
0x110: {  	[hbm:s26@s4], [sflag:s0] =	dma.strided [hbm:s6@s4], $0x80, s3, $0x10   }
0x111: {  	s6 =	sld [smem:$0x1E];
	_ =	sdelay $0x3  }
0x112: {  	s5 =	sadd.s32 s5, s6  }
0x113: {  	s6 =	sshll.u32 s5, $0xA;
	s5 =	sshll.u32 s5, $0x7  }
0x114: {  	s6 =	sand.u32 $0xFFFFE000, s6;
	s5 =	sand.u32 $0x380, s5  }
0x115: {  	s5 =	sor.u32 s5, s6  }
0x116: {  	s5 =	sshrl.u32 s5, $0x3  }
0x117: {  	s2 =	sadd.s32 $0x470, s2;
	s1 =	sadd.s32 s1, s5  }
0x118: {  	[hbm:s2@s4], [sflag:s0] =	dma.strided [hbm:s1@s4], $0x80, s3, $0x10   }
0x119: {  	_ =	swait.ge [sflag:s0], $0x80  }
0x11a: {  	[sflag:s0] =	ssyncset.done $0x0  }
0x11b: {  	[sflag:s0] =	ssyncadd.s32 $0xFFFFFF80;
	_ =	sdelay $0x2  }
0x11c: {  	_ =	swait.ge [sflag:s0], $0x80  }
0x11d: {  	[sflag:s0] =	ssyncset.done $0x0  }
0x11e: {  	[sflag:s0] =	ssyncadd.s32 $0xFFFFFF80;
	_ =	sdelay $0x2  }
0x11f: {  	_ =	swait.ge [sflag:s0], $0x80  }
0x120: {  	[sflag:s0] =	ssyncset.done $0x0  }
0x121: {  	[sflag:s0] =	ssyncadd.s32 $0xFFFFFF80;
	_ =	sdelay $0x2  }
0x122: {  	_ =	swait.ge [sflag:s0], $0x80  }
0x123: {  	[sflag:s0] =	ssyncset.done $0x0  }
0x124: {  	[sflag:s0] =	ssyncadd.s32 $0xFFFFFF80;
	_ =	sdelay $0x2  }
0x125: {  	_ =	swait.ge [sflag:s0], $0x80  }
0x126: {  	[sflag:s0] =	ssyncset.done $0x0  }
0x127: {  	[sflag:s0] =	ssyncadd.s32 $0xFFFFFF80;
	_ =	sdelay $0x2  }
0x128: {  	_ =	swait.ge [sflag:s0], $0x80  }
0x129: {  	[sflag:s0] =	ssyncset.done $0x0  }
0x12a: {  	[sflag:s0] =	ssyncadd.s32 $0xFFFFFF80;
	_ =	sdelay $0x2  }
0x12b: {  	_ =	swait.ge [sflag:s0], $0x80  }
0x12c: {  	[sflag:s0] =	ssyncset.done $0x0  }
0x12d: {  	[sflag:s0] =	ssyncadd.s32 $0xFFFFFF80;
	_ =	sdelay $0x2  }
0x12e: {  	_ =	swait.ge [sflag:s0], $0x80  }
0x12f: {  	[sflag:s0] =	ssyncset.done $0x0  }
0x130: {  	[sflag:s0] =	ssyncadd.s32 $0xFFFFFF80;
	_ =	sdelay $0x2  }
0x131: {  	_ =	swait.ge [sflag:s0], $0x80  }
0x132: {  	[sflag:s0] =	ssyncset.done $0x0  }
0x133: {  	[sflag:s0] =	ssyncadd.s32 $0xFFFFFF80;
	_ =	sdelay $0x2  }
0x134: {  	_ =	swait.ge [sflag:s0], $0x80  }
0x135: {  	[sflag:s0] =	ssyncset.done $0x0  }
0x136: {  	[sflag:s0] =	ssyncadd.s32 $0xFFFFFF80;
	_ =	sdelay $0x2  }
0x137: {  	_ =	swait.ge [sflag:s0], $0x80  }
0x138: {  	[sflag:s0] =	ssyncset.done $0x0  }
0x139: {  	[sflag:s0] =	ssyncadd.s32 $0xFFFFFF80;
	_ =	sdelay $0x2  }
0x13a: {  	_ =	swait.ge [sflag:s0], $0x80  }
0x13b: {  	[sflag:s0] =	ssyncset.done $0x0  }
0x13c: {  	[sflag:s0] =	ssyncadd.s32 $0xFFFFFF80;
	_ =	sdelay $0x2  }
0x13d: {  	_ =	swait.ge [sflag:s0], $0x80  }
0x13e: {  	[sflag:s0] =	ssyncset.done $0x0  }
0x13f: {  	[sflag:s0] =	ssyncadd.s32 $0xFFFFFF80;
	_ =	sdelay $0x2  }
0x140: {  	_ =	swait.ge [sflag:s0], $0x80  }
0x141: {  	[sflag:s0] =	ssyncset.done $0x0  }
0x142: {  	[sflag:s0] =	ssyncadd.s32 $0xFFFFFF80;
	_ =	sdelay $0x2  }
0x143: {  	_ =	swait.ge [sflag:s0], $0x80  }
0x144: {  	[sflag:s0] =	ssyncset.done $0x0  }
0x145: {  	[sflag:s0] =	ssyncadd.s32 $0xFFFFFF80;
	_ =	sdelay $0x2  }
0x146: {  	_ =	swait.ge [sflag:s0], $0x80  }
0x147: {  	[sflag:s0] =	ssyncset.done $0x0  }
0x148: {  	[sflag:s0] =	ssyncadd.s32 $0xFFFFFF80  }
0x149: {  	_ =	strace $0x90000046  }
0x14a: {  	_ =	sfence  }
0x14b: {  	s28 =	sld [smem:$0x0];
	_ =	sdelay $0x1  }
0x14c: {  	s29 =	srdreg.scid  }
0x14d: {  	s30 =	sshll.u32 s29, $0xD;
	s31 =	sshrl.u32 s29, $0x2  }
0x14e: {  	s1 =	sand.u32 $0x1, s29;
	s2 =	sand.u32 $0x4000, s30;
	s0 =	sadd.s32 s31, s28  }
0x14f: {  	s1 =	sor.u32 s2, s1;
	s0 =	sshll.u32 s0, $0x11  }
0x150: {  	s0 =	sor.u32 s0, s1  }
0x151: {  	s0 =	sadd.s32 $0x8F2B, s0;
	(pc) =	sbr.abs _section_cstart, $3  }
0x152: {  	[sflag:s0] =	ssyncadd.remote.s32 $0x1  }
0x153: {  	_ =	strace $0x9FFFFFFF  }
0x154: {  	(tm) =	ssettm $0x7FFFFFFF  }
0x155: {  	_ =	shalt  }

</sc_bundles>
